<compile_context>
chip_gen: v7x
topology: tpu7x:2x2x1
jax: 0.10.2.dev20260603
libtpu: 0.0.44.dev20260713+nightly
codegen_flags: <defaults>
</compile_context>

<pallas_src>
import functools

import jax
import jax.numpy as jnp
from jax import lax
from jax.experimental import pallas as pl
from jax.experimental.pallas import tpu as pltpu
from jax.experimental.pallas import tpu_sc as plsc

B = 16384
D = 256
V = 1000

_info = plsc.get_sparse_core_info()
NC = _info.num_cores
NS = _info.num_subcores
NW = NC * NS
BPW = B // NW
C = 128
NCHUNK = BPW // C

_mesh = plsc.VectorSubcoreMesh(core_axis_name="c", subcore_axis_name="s")


NBUF = 3


@functools.partial(
    pl.kernel,
    mesh=_mesh,
    out_type=jax.ShapeDtypeStruct((B, D), jnp.float32),
    scratch_types=[
        pltpu.VMEM((NCHUNK, C), jnp.int32),
        pltpu.VMEM((C, D), jnp.float32),
        pltpu.VMEM((C, D), jnp.float32),
        pltpu.VMEM((C, D), jnp.float32),
        pltpu.SemaphoreType.DMA,
        pltpu.SemaphoreType.DMA,
        pltpu.SemaphoreType.DMA,
        pltpu.SemaphoreType.DMA,
        pltpu.SemaphoreType.DMA,
        pltpu.SemaphoreType.DMA,
    ],
)
def _gather_kernel(table_hbm, idx_hbm, out_hbm, idx_v,
                   b0, b1, b2, sg0, sg1, sg2, so0, so1, so2):
    wid = lax.axis_index("s") * NC + lax.axis_index("c")
    base = wid * BPW
    bufs = [b0, b1, b2]
    gsems = [sg0, sg1, sg2]
    osems = [so0, so1, so2]
    pltpu.sync_copy(idx_hbm.at[wid], idx_v)

    def gather(j):
        k = j % NBUF
        return pltpu.async_copy(table_hbm.at[idx_v.at[j]], bufs[k], gsems[k])

    def writeback(j):
        k = j % NBUF
        return pltpu.async_copy(
            bufs[k], out_hbm.at[pl.ds(base + j * C, C)], osems[k])

    gathers = [gather(j) for j in range(NBUF)]
    writes = [None] * NCHUNK
    for j in range(NCHUNK):
        gathers[j % NBUF].wait()
        writes[j] = writeback(j)
        nxt = j + NBUF
        if nxt < NCHUNK:
            writes[nxt - NBUF].wait()
            gathers[nxt % NBUF] = gather(nxt)
    for j in range(max(0, NCHUNK - NBUF), NCHUNK):
        writes[j].wait()


def kernel(emotion_ids, emb_e_weight):
    idx = emotion_ids.astype(jnp.int32).reshape(NW, NCHUNK, C)
    return _gather_kernel(emb_e_weight, idx)

# --- scband reference (transcript-rebuilt; emitter-appended) ---
"""Pipeline reference for scband-emotion-embedding-67559835566818 (READ-ONLY COPY).

The authoritative reference and input builder live on the scoring server;
editing this copy changes nothing except your own understanding.
"""

import jax, jax.numpy as jnp
import numpy as np

N_EMOTIONS = 1000
EMOTION_CHANNELS = 256
BATCH = 16384

def setup_inputs(seed: int = 0) -> dict:
    key = jax.random.key(seed)
    k_idx, k_tab = jax.random.split(key)
    emotion_ids = jax.random.randint(k_idx, (BATCH,), 0, N_EMOTIONS, dtype=jnp.int64 if jax.config.jax_enable_x64 else jnp.int32)
    # nn.Embedding default init: N(0, 1)
    emb_e_weight = jax.random.normal(k_tab, (N_EMOTIONS, EMOTION_CHANNELS), dtype=jnp.float32)
    return {"emotion_ids": emotion_ids, "emb_e_weight": emb_e_weight}

def reference(emotion_ids, emb_e_weight):
    # EmotionEmbedding.forward: emb_e(emotion_ids) -> [batch, emotion_channels]
    return jnp.take(emb_e_weight, emotion_ids, axis=0)

if __name__ == "__main__":
    import jax
    _d = setup_inputs()
    print(jax.jit(kernel)(*tuple(_d.values())))

</pallas_src>

<mosaic_0001>
#map = affine_map<(d0, d1) -> (0, 0)>
#map1 = affine_map<(d0, d1) -> (0, 0, 0)>
module attributes {stable_mosaic.version = 14 : i64} {
  func.func @_gather_kernel(%arg0: i32, %arg1: i32, %arg2: memref<1000x256xf32, #tpu.memory_space<hbm>>, %arg3: memref<32x4x128xi32, #tpu.memory_space<hbm>>, %arg4: memref<16384x256xf32, #tpu.memory_space<hbm>>, %arg5: memref<4x128xi32, #tpu.memory_space<vmem>>, %arg6: memref<128x256xf32, #tpu.memory_space<vmem>>, %arg7: memref<128x256xf32, #tpu.memory_space<vmem>>, %arg8: memref<128x256xf32, #tpu.memory_space<vmem>>, %arg9: memref<!tpu.dma_semaphore, #tpu.memory_space<semaphore_mem>>, %arg10: memref<!tpu.dma_semaphore, #tpu.memory_space<semaphore_mem>>, %arg11: memref<!tpu.dma_semaphore, #tpu.memory_space<semaphore_mem>>, %arg12: memref<!tpu.dma_semaphore, #tpu.memory_space<semaphore_mem>>, %arg13: memref<!tpu.dma_semaphore, #tpu.memory_space<semaphore_mem>>, %arg14: memref<!tpu.dma_semaphore, #tpu.memory_space<semaphore_mem>>) attributes {dimension_semantics = [#tpu.dimension_semantics<core_parallel>, #tpu.dimension_semantics<subcore_parallel>], iteration_bounds = array<i64: 2, 16>, scalar_prefetch = 0 : i64, scratch_operands = 10 : i64, tpu.core_type = #tpu.core_type<sc_vector_subcore>, window_params = [{transform_indices = #map}, {transform_indices = #map1}, {transform_indices = #map}]} {
    %mul3A = arith.constant 2 : i32
    %mul3A_0 = arith.muli %arg1, %mul3A : i32
    %add3A = arith.addi %mul3A_0, %arg0 : i32
    %mul3A_1 = arith.constant 512 : i32
    %mul3A_2 = arith.muli %add3A, %mul3A_1 : i32
    "tpu.region"() ({
      %run_scoped3A = tpu.sem_alloc : memref<!tpu.dma_semaphore, #tpu.memory_space<semaphore_mem>>
      %dma_start3A_97 = arith.constant 0 : i32
      %dma_start3A_98 = arith.constant 0 : i32
      %dma_start3A_99 = tpu.memref_slice %arg3[%add3A, %dma_start3A_97, %dma_start3A_98] : memref<32x4x128xi32, #tpu.memory_space<hbm>> -> memref<1x4x128xi32, #tpu.memory_space<hbm>>
      %dma_start3A_100 = tpu.memref_squeeze %dma_start3A_99 : memref<1x4x128xi32, #tpu.memory_space<hbm>> -> memref<4x128xi32, #tpu.memory_space<hbm>>
      %dma_start3A_101 = arith.constant 0 : i32
      %dma_start3A_102 = arith.constant 0 : i32
      %dma_start3A_103 = tpu.memref_slice %arg3[%add3A, %dma_start3A_101, %dma_start3A_102] : memref<32x4x128xi32, #tpu.memory_space<hbm>> -> memref<1x4x128xi32, #tpu.memory_space<hbm>>
      %dma_start3A_104 = tpu.memref_squeeze %dma_start3A_103 : memref<1x4x128xi32, #tpu.memory_space<hbm>> -> memref<4x128xi32, #tpu.memory_space<hbm>>
      tpu.enqueue_dma source(%dma_start3A_104 : memref<4x128xi32, #tpu.memory_space<hbm>>) target(%arg5 : memref<4x128xi32, #tpu.memory_space<vmem>>) target_semaphore(%run_scoped3A : memref<!tpu.dma_semaphore, #tpu.memory_space<semaphore_mem>>)
      %dma_wait3A_105 = arith.constant 0 : i32
      %dma_wait3A_106 = arith.constant 0 : i32
      %dma_wait3A_107 = tpu.memref_slice %arg3[%add3A, %dma_wait3A_105, %dma_wait3A_106] : memref<32x4x128xi32, #tpu.memory_space<hbm>> -> memref<1x4x128xi32, #tpu.memory_space<hbm>>
      %dma_wait3A_108 = tpu.memref_squeeze %dma_wait3A_107 : memref<1x4x128xi32, #tpu.memory_space<hbm>> -> memref<4x128xi32, #tpu.memory_space<hbm>>
      %dma_wait3A_109 = arith.constant 0 : i32
      %dma_wait3A_110 = arith.constant 0 : i32
      %dma_wait3A_111 = tpu.memref_slice %arg3[%add3A, %dma_wait3A_109, %dma_wait3A_110] : memref<32x4x128xi32, #tpu.memory_space<hbm>> -> memref<1x4x128xi32, #tpu.memory_space<hbm>>
      %dma_wait3A_112 = tpu.memref_squeeze %dma_wait3A_111 : memref<1x4x128xi32, #tpu.memory_space<hbm>> -> memref<4x128xi32, #tpu.memory_space<hbm>>
      tpu.wait_dma2 semaphore(%run_scoped3A : memref<!tpu.dma_semaphore, #tpu.memory_space<semaphore_mem>>) src(%dma_wait3A_112 : memref<4x128xi32, #tpu.memory_space<hbm>>) dst(%arg5 : memref<4x128xi32, #tpu.memory_space<vmem>>)
      tpu.yield
    }) : () -> ()
    %dma_start3A = arith.constant 0 : i32
    %dma_start3A_3 = arith.constant 0 : i32
    %dma_start3A_4 = tpu.memref_slice %arg5[%dma_start3A, %dma_start3A_3] : memref<4x128xi32, #tpu.memory_space<vmem>> -> memref<1x128xi32, #tpu.memory_space<vmem>>
    %dma_start3A_5 = tpu.memref_squeeze %dma_start3A_4 : memref<1x128xi32, #tpu.memory_space<vmem>> -> memref<128xi32, #tpu.memory_space<vmem>>
    %dma_start3A_6 = arith.constant 0 : i32
    %dma_start3A_7 = arith.constant 0 : i32
    %dma_start3A_8 = tpu.memref_slice %arg2[%dma_start3A_6, %dma_start3A_7] : memref<1000x256xf32, #tpu.memory_space<hbm>> -> memref<1000x256xf32, #tpu.memory_space<hbm>>
    tpu.enqueue_indirect_dma source(%dma_start3A_8 : memref<1000x256xf32, #tpu.memory_space<hbm>>) target(%arg6 : memref<128x256xf32, #tpu.memory_space<vmem>>) offsets(%dma_start3A_5 : memref<128xi32, #tpu.memory_space<vmem>>) semaphore(%arg9 : memref<!tpu.dma_semaphore, #tpu.memory_space<semaphore_mem>>)
    %dma_start3A_9 = arith.constant 1 : i32
    %dma_start3A_10 = arith.constant 0 : i32
    %dma_start3A_11 = tpu.memref_slice %arg5[%dma_start3A_9, %dma_start3A_10] : memref<4x128xi32, #tpu.memory_space<vmem>> -> memref<1x128xi32, #tpu.memory_space<vmem>>
    %dma_start3A_12 = tpu.memref_squeeze %dma_start3A_11 : memref<1x128xi32, #tpu.memory_space<vmem>> -> memref<128xi32, #tpu.memory_space<vmem>>
    %dma_start3A_13 = arith.constant 0 : i32
    %dma_start3A_14 = arith.constant 0 : i32
    %dma_start3A_15 = tpu.memref_slice %arg2[%dma_start3A_13, %dma_start3A_14] : memref<1000x256xf32, #tpu.memory_space<hbm>> -> memref<1000x256xf32, #tpu.memory_space<hbm>>
    tpu.enqueue_indirect_dma source(%dma_start3A_15 : memref<1000x256xf32, #tpu.memory_space<hbm>>) target(%arg7 : memref<128x256xf32, #tpu.memory_space<vmem>>) offsets(%dma_start3A_12 : memref<128xi32, #tpu.memory_space<vmem>>) semaphore(%arg10 : memref<!tpu.dma_semaphore, #tpu.memory_space<semaphore_mem>>)
    %dma_start3A_16 = arith.constant 2 : i32
    %dma_start3A_17 = arith.constant 0 : i32
    %dma_start3A_18 = tpu.memref_slice %arg5[%dma_start3A_16, %dma_start3A_17] : memref<4x128xi32, #tpu.memory_space<vmem>> -> memref<1x128xi32, #tpu.memory_space<vmem>>
    %dma_start3A_19 = tpu.memref_squeeze %dma_start3A_18 : memref<1x128xi32, #tpu.memory_space<vmem>> -> memref<128xi32, #tpu.memory_space<vmem>>
    %dma_start3A_20 = arith.constant 0 : i32
    %dma_start3A_21 = arith.constant 0 : i32
    %dma_start3A_22 = tpu.memref_slice %arg2[%dma_start3A_20, %dma_start3A_21] : memref<1000x256xf32, #tpu.memory_space<hbm>> -> memref<1000x256xf32, #tpu.memory_space<hbm>>
    tpu.enqueue_indirect_dma source(%dma_start3A_22 : memref<1000x256xf32, #tpu.memory_space<hbm>>) target(%arg8 : memref<128x256xf32, #tpu.memory_space<vmem>>) offsets(%dma_start3A_19 : memref<128xi32, #tpu.memory_space<vmem>>) semaphore(%arg11 : memref<!tpu.dma_semaphore, #tpu.memory_space<semaphore_mem>>)
    %dma_wait3A = arith.constant 0 : i32
    %dma_wait3A_23 = arith.constant 0 : i32
    %dma_wait3A_24 = tpu.memref_slice %arg5[%dma_wait3A, %dma_wait3A_23] : memref<4x128xi32, #tpu.memory_space<vmem>> -> memref<1x128xi32, #tpu.memory_space<vmem>>
    %dma_wait3A_25 = tpu.memref_squeeze %dma_wait3A_24 : memref<1x128xi32, #tpu.memory_space<vmem>> -> memref<128xi32, #tpu.memory_space<vmem>>
    %dma_wait3A_26 = arith.constant 0 : i32
    %dma_wait3A_27 = arith.constant 0 : i32
    %dma_wait3A_28 = tpu.memref_slice %arg2[%dma_wait3A_26, %dma_wait3A_27] : memref<1000x256xf32, #tpu.memory_space<hbm>> -> memref<1000x256xf32, #tpu.memory_space<hbm>>
    tpu.wait_indirect_dma semaphore(%arg9 : memref<!tpu.dma_semaphore, #tpu.memory_space<semaphore_mem>>) src(%dma_wait3A_28 : memref<1000x256xf32, #tpu.memory_space<hbm>>) dst(%arg6 : memref<128x256xf32, #tpu.memory_space<vmem>>)
    %add3A_29 = arith.constant 0 : i32
    %add3A_30 = arith.addi %mul3A_2, %add3A_29 : i32
    %dma_start3A_31 = arith.constant 0 : i32
    %dma_start3A_32 = tpu.memref_slice %arg4[%add3A_30, %dma_start3A_31] : memref<16384x256xf32, #tpu.memory_space<hbm>> -> memref<128x256xf32, #tpu.memory_space<hbm>>
    %dma_start3A_33 = arith.constant 0 : i32
    %dma_start3A_34 = tpu.memref_slice %arg4[%add3A_30, %dma_start3A_33] : memref<16384x256xf32, #tpu.memory_space<hbm>> -> memref<128x256xf32, #tpu.memory_space<hbm>>
    tpu.enqueue_dma source(%arg6 : memref<128x256xf32, #tpu.memory_space<vmem>>) target(%dma_start3A_34 : memref<128x256xf32, #tpu.memory_space<hbm>>) target_semaphore(%arg12 : memref<!tpu.dma_semaphore, #tpu.memory_space<semaphore_mem>>)
    %dma_wait3A_35 = arith.constant 0 : i32
    %dma_wait3A_36 = tpu.memref_slice %arg4[%add3A_30, %dma_wait3A_35] : memref<16384x256xf32, #tpu.memory_space<hbm>> -> memref<128x256xf32, #tpu.memory_space<hbm>>
    %dma_wait3A_37 = arith.constant 0 : i32
    %dma_wait3A_38 = tpu.memref_slice %arg4[%add3A_30, %dma_wait3A_37] : memref<16384x256xf32, #tpu.memory_space<hbm>> -> memref<128x256xf32, #tpu.memory_space<hbm>>
    tpu.wait_dma2 semaphore(%arg12 : memref<!tpu.dma_semaphore, #tpu.memory_space<semaphore_mem>>) src(%arg6 : memref<128x256xf32, #tpu.memory_space<vmem>>) dst(%dma_wait3A_38 : memref<128x256xf32, #tpu.memory_space<hbm>>)
    %dma_start3A_39 = arith.constant 3 : i32
    %dma_start3A_40 = arith.constant 0 : i32
    %dma_start3A_41 = tpu.memref_slice %arg5[%dma_start3A_39, %dma_start3A_40] : memref<4x128xi32, #tpu.memory_space<vmem>> -> memref<1x128xi32, #tpu.memory_space<vmem>>
    %dma_start3A_42 = tpu.memref_squeeze %dma_start3A_41 : memref<1x128xi32, #tpu.memory_space<vmem>> -> memref<128xi32, #tpu.memory_space<vmem>>
    %dma_start3A_43 = arith.constant 0 : i32
    %dma_start3A_44 = arith.constant 0 : i32
    %dma_start3A_45 = tpu.memref_slice %arg2[%dma_start3A_43, %dma_start3A_44] : memref<1000x256xf32, #tpu.memory_space<hbm>> -> memref<1000x256xf32, #tpu.memory_space<hbm>>
    tpu.enqueue_indirect_dma source(%dma_start3A_45 : memref<1000x256xf32, #tpu.memory_space<hbm>>) target(%arg6 : memref<128x256xf32, #tpu.memory_space<vmem>>) offsets(%dma_start3A_42 : memref<128xi32, #tpu.memory_space<vmem>>) semaphore(%arg9 : memref<!tpu.dma_semaphore, #tpu.memory_space<semaphore_mem>>)
    %dma_wait3A_46 = arith.constant 1 : i32
    %dma_wait3A_47 = arith.constant 0 : i32
    %dma_wait3A_48 = tpu.memref_slice %arg5[%dma_wait3A_46, %dma_wait3A_47] : memref<4x128xi32, #tpu.memory_space<vmem>> -> memref<1x128xi32, #tpu.memory_space<vmem>>
    %dma_wait3A_49 = tpu.memref_squeeze %dma_wait3A_48 : memref<1x128xi32, #tpu.memory_space<vmem>> -> memref<128xi32, #tpu.memory_space<vmem>>
    %dma_wait3A_50 = arith.constant 0 : i32
    %dma_wait3A_51 = arith.constant 0 : i32
    %dma_wait3A_52 = tpu.memref_slice %arg2[%dma_wait3A_50, %dma_wait3A_51] : memref<1000x256xf32, #tpu.memory_space<hbm>> -> memref<1000x256xf32, #tpu.memory_space<hbm>>
    tpu.wait_indirect_dma semaphore(%arg10 : memref<!tpu.dma_semaphore, #tpu.memory_space<semaphore_mem>>) src(%dma_wait3A_52 : memref<1000x256xf32, #tpu.memory_space<hbm>>) dst(%arg7 : memref<128x256xf32, #tpu.memory_space<vmem>>)
    %add3A_53 = arith.constant 128 : i32
    %add3A_54 = arith.addi %mul3A_2, %add3A_53 : i32
    %dma_start3A_55 = arith.constant 0 : i32
    %dma_start3A_56 = tpu.memref_slice %arg4[%add3A_54, %dma_start3A_55] : memref<16384x256xf32, #tpu.memory_space<hbm>> -> memref<128x256xf32, #tpu.memory_space<hbm>>
    %dma_start3A_57 = arith.constant 0 : i32
    %dma_start3A_58 = tpu.memref_slice %arg4[%add3A_54, %dma_start3A_57] : memref<16384x256xf32, #tpu.memory_space<hbm>> -> memref<128x256xf32, #tpu.memory_space<hbm>>
    tpu.enqueue_dma source(%arg7 : memref<128x256xf32, #tpu.memory_space<vmem>>) target(%dma_start3A_58 : memref<128x256xf32, #tpu.memory_space<hbm>>) target_semaphore(%arg13 : memref<!tpu.dma_semaphore, #tpu.memory_space<semaphore_mem>>)
    %dma_wait3A_59 = arith.constant 2 : i32
    %dma_wait3A_60 = arith.constant 0 : i32
    %dma_wait3A_61 = tpu.memref_slice %arg5[%dma_wait3A_59, %dma_wait3A_60] : memref<4x128xi32, #tpu.memory_space<vmem>> -> memref<1x128xi32, #tpu.memory_space<vmem>>
    %dma_wait3A_62 = tpu.memref_squeeze %dma_wait3A_61 : memref<1x128xi32, #tpu.memory_space<vmem>> -> memref<128xi32, #tpu.memory_space<vmem>>
    %dma_wait3A_63 = arith.constant 0 : i32
    %dma_wait3A_64 = arith.constant 0 : i32
    %dma_wait3A_65 = tpu.memref_slice %arg2[%dma_wait3A_63, %dma_wait3A_64] : memref<1000x256xf32, #tpu.memory_space<hbm>> -> memref<1000x256xf32, #tpu.memory_space<hbm>>
    tpu.wait_indirect_dma semaphore(%arg11 : memref<!tpu.dma_semaphore, #tpu.memory_space<semaphore_mem>>) src(%dma_wait3A_65 : memref<1000x256xf32, #tpu.memory_space<hbm>>) dst(%arg8 : memref<128x256xf32, #tpu.memory_space<vmem>>)
    %add3A_66 = arith.constant 256 : i32
    %add3A_67 = arith.addi %mul3A_2, %add3A_66 : i32
    %dma_start3A_68 = arith.constant 0 : i32
    %dma_start3A_69 = tpu.memref_slice %arg4[%add3A_67, %dma_start3A_68] : memref<16384x256xf32, #tpu.memory_space<hbm>> -> memref<128x256xf32, #tpu.memory_space<hbm>>
    %dma_start3A_70 = arith.constant 0 : i32
    %dma_start3A_71 = tpu.memref_slice %arg4[%add3A_67, %dma_start3A_70] : memref<16384x256xf32, #tpu.memory_space<hbm>> -> memref<128x256xf32, #tpu.memory_space<hbm>>
    tpu.enqueue_dma source(%arg8 : memref<128x256xf32, #tpu.memory_space<vmem>>) target(%dma_start3A_71 : memref<128x256xf32, #tpu.memory_space<hbm>>) target_semaphore(%arg14 : memref<!tpu.dma_semaphore, #tpu.memory_space<semaphore_mem>>)
    %dma_wait3A_72 = arith.constant 3 : i32
    %dma_wait3A_73 = arith.constant 0 : i32
    %dma_wait3A_74 = tpu.memref_slice %arg5[%dma_wait3A_72, %dma_wait3A_73] : memref<4x128xi32, #tpu.memory_space<vmem>> -> memref<1x128xi32, #tpu.memory_space<vmem>>
    %dma_wait3A_75 = tpu.memref_squeeze %dma_wait3A_74 : memref<1x128xi32, #tpu.memory_space<vmem>> -> memref<128xi32, #tpu.memory_space<vmem>>
    %dma_wait3A_76 = arith.constant 0 : i32
    %dma_wait3A_77 = arith.constant 0 : i32
    %dma_wait3A_78 = tpu.memref_slice %arg2[%dma_wait3A_76, %dma_wait3A_77] : memref<1000x256xf32, #tpu.memory_space<hbm>> -> memref<1000x256xf32, #tpu.memory_space<hbm>>
    tpu.wait_indirect_dma semaphore(%arg9 : memref<!tpu.dma_semaphore, #tpu.memory_space<semaphore_mem>>) src(%dma_wait3A_78 : memref<1000x256xf32, #tpu.memory_space<hbm>>) dst(%arg6 : memref<128x256xf32, #tpu.memory_space<vmem>>)
    %add3A_79 = arith.constant 384 : i32
    %add3A_80 = arith.addi %mul3A_2, %add3A_79 : i32
    %dma_start3A_81 = arith.constant 0 : i32
    %dma_start3A_82 = tpu.memref_slice %arg4[%add3A_80, %dma_start3A_81] : memref<16384x256xf32, #tpu.memory_space<hbm>> -> memref<128x256xf32, #tpu.memory_space<hbm>>
    %dma_start3A_83 = arith.constant 0 : i32
    %dma_start3A_84 = tpu.memref_slice %arg4[%add3A_80, %dma_start3A_83] : memref<16384x256xf32, #tpu.memory_space<hbm>> -> memref<128x256xf32, #tpu.memory_space<hbm>>
    tpu.enqueue_dma source(%arg6 : memref<128x256xf32, #tpu.memory_space<vmem>>) target(%dma_start3A_84 : memref<128x256xf32, #tpu.memory_space<hbm>>) target_semaphore(%arg12 : memref<!tpu.dma_semaphore, #tpu.memory_space<semaphore_mem>>)
    %dma_wait3A_85 = arith.constant 0 : i32
    %dma_wait3A_86 = tpu.memref_slice %arg4[%add3A_54, %dma_wait3A_85] : memref<16384x256xf32, #tpu.memory_space<hbm>> -> memref<128x256xf32, #tpu.memory_space<hbm>>
    %dma_wait3A_87 = arith.constant 0 : i32
    %dma_wait3A_88 = tpu.memref_slice %arg4[%add3A_54, %dma_wait3A_87] : memref<16384x256xf32, #tpu.memory_space<hbm>> -> memref<128x256xf32, #tpu.memory_space<hbm>>
    tpu.wait_dma2 semaphore(%arg13 : memref<!tpu.dma_semaphore, #tpu.memory_space<semaphore_mem>>) src(%arg7 : memref<128x256xf32, #tpu.memory_space<vmem>>) dst(%dma_wait3A_88 : memref<128x256xf32, #tpu.memory_space<hbm>>)
    %dma_wait3A_89 = arith.constant 0 : i32
    %dma_wait3A_90 = tpu.memref_slice %arg4[%add3A_67, %dma_wait3A_89] : memref<16384x256xf32, #tpu.memory_space<hbm>> -> memref<128x256xf32, #tpu.memory_space<hbm>>
    %dma_wait3A_91 = arith.constant 0 : i32
    %dma_wait3A_92 = tpu.memref_slice %arg4[%add3A_67, %dma_wait3A_91] : memref<16384x256xf32, #tpu.memory_space<hbm>> -> memref<128x256xf32, #tpu.memory_space<hbm>>
    tpu.wait_dma2 semaphore(%arg14 : memref<!tpu.dma_semaphore, #tpu.memory_space<semaphore_mem>>) src(%arg8 : memref<128x256xf32, #tpu.memory_space<vmem>>) dst(%dma_wait3A_92 : memref<128x256xf32, #tpu.memory_space<hbm>>)
    %dma_wait3A_93 = arith.constant 0 : i32
    %dma_wait3A_94 = tpu.memref_slice %arg4[%add3A_80, %dma_wait3A_93] : memref<16384x256xf32, #tpu.memory_space<hbm>> -> memref<128x256xf32, #tpu.memory_space<hbm>>
    %dma_wait3A_95 = arith.constant 0 : i32
    %dma_wait3A_96 = tpu.memref_slice %arg4[%add3A_80, %dma_wait3A_95] : memref<16384x256xf32, #tpu.memory_space<hbm>> -> memref<128x256xf32, #tpu.memory_space<hbm>>
    tpu.wait_dma2 semaphore(%arg12 : memref<!tpu.dma_semaphore, #tpu.memory_space<semaphore_mem>>) src(%arg6 : memref<128x256xf32, #tpu.memory_space<vmem>>) dst(%dma_wait3A_96 : memref<128x256xf32, #tpu.memory_space<hbm>>)
    return
  }
}

</mosaic_0001>

<sc_bundles>
// kernel: kernel.3.cloned.1.call-start
scs
__scs_entry_jumppad:
0x0: {  	(pc) =	sbr.rel $0x88, $3  }
0x1: {  	(tag) =	ssettag $0x0;
	lr =	simm.s32 $0x1  }
0x2: {  	[smem:$0x3F9F] =	sst lr;
	_ =	strace $0xD0000000  }
0x3: {  	_ = 	snop  }
0x4: {  	_ = 	snop  }
0x5: {  	_ = 	snop  }
0x6: {  	_ = 	snop  }
0x7: {  	_ = 	snop  }
__scs_overlays_trampoline_lowered:
0x8: {  	[smem:$0x3FAE] =	sst s0  }
0x9: {  	[smem:$0x3FAF] =	sst s1  }
0xa: {  	[smem:$0x3FB0] =	sst s2  }
0xb: {  	[smem:$0x3FB1] =	sst s3  }
0xc: {  	[smem:$0x3FB2] =	sst s4  }
0xd: {  	[smem:$0x3FB3] =	sst s5  }
0xe: {  	[smem:$0x3FB4] =	sst s6  }
0xf: {  	[smem:$0x3FB5] =	sst s7  }
0x10: {  	[smem:$0x3FB6] =	sst s8  }
0x11: {  	[smem:$0x3FB7] =	sst s9;
	s0 =	simm.s32 @!p0 $0x0  }
0x12: {  	s1 =	sld [smem:$0x3F9D];
	s0 =	simm.s32 @p0 $0x1  }
0x13: {  	[smem:$0x3FB8] =	sst s0;
	s0 =	simm.s32 @!p1 $0x0  }
0x14: {  	s2 =	sld [smem:$0x3F9C];
	s0 =	simm.s32 @p1 $0x1  }
0x15: {  	[smem:$0x3FB9] =	sst s0;
	s0 =	simm.s32 @!p2 $0x0  }
0x16: {  	s3 =	sld [smem:$0x3FDB];
	s0 =	simm.s32 @p2 $0x1  }
0x17: {  	s4 =	simm.s32 $0x1BF5;
	[smem:$0x3FBB] =	sst s0  }
0x18: {  	s0 =	sld [smem:$0x3F9E];
	_ =	swait.ge [sflag:s4], $0x0  }
0x19: {  	s7 =	sld [smem:$0x3F9F]  }
0x1a: {  	s8 =	sadd.s32 $0xFFFFE003, lr  }
0x1b: {  	s9 =	sadd.s32 $0xFFFFFEF7, lr;
	s5 =	simm.s32 $0xFFFFFFFF;
	p2 =	slt.u32 s8, $0xFFFFF086  }
0x1c: {  	p1 =	slt.u32 s9, $0xF7A;
	s5 =	simm.s32 @!p2 $0x0  }
0x1d: {  	s5 =	simm.s32 @p1 $0x1;
	p0 =	seq.s32 s7, s2  }
0x1e: {  	s7 =	smul.u32 @!p0 $0xF7A, s2;
	p2 =	seq.s32 @!p0 s5, $0x0  }
0x1f: {  	s9 =	smul.u32 $0xF7A, s1;
	s8 =	simm.s32 @!p0 $0x1BF5;
	p2 =	por !p2, p0  }
0x20: {  	[sflag:s8] =	ssyncset.s32 @!p0 $0xFFFFF086;
	s6 =	sadd.s32 @!p0 s3, s7;
	s7 =	simm.s32 @!p0 $0x108  }
0x21: {  	s3 =	sadd.s32 s3, s9;
	s6 =	sadd.s32 @!p0 $0x88, s6;
	s7 =	simm.s32 @p2 $0x1082  }
0x22: {  	[simem:s7], [sflag:s8] =	dma.local @!p0 [hbm:s6], $0xF7A  }
0x23: {  	s9 =	sor.u32 $0xD0000000, s2;
	s6 =	simm.s32 $0x108;
	_ =	swait.ge @!p0 [sflag:s8], $0x0  }
0x24: {  	s3 =	sadd.s32 $0x88, s3;
	s6 =	simm.s32 @!p1 $0x1082;
	[sflag:s4] =	ssyncset.s32 $0xFFFFF086  }
0x25: {  	[simem:s6], [sflag:s4] =	dma.local [hbm:s3], $0xF7A  }
0x26: {  	[smem:$0x3F9F] =	sst s1;
	(tag) =	ssettag s2;
	_ =	strace s9  }
0x27: {  	s1 =	sld [smem:$0x3FAF]  }
0x28: {  	s2 =	sld [smem:$0x3FB0]  }
0x29: {  	s4 =	sld [smem:$0x3FB2]  }
0x2a: {  	p0 =	seq.s32 s5, $0x0;
	s5 =	sld [smem:$0x3FB3]  }
0x2b: {  	s6 =	sld [smem:$0x3FB4]  }
0x2c: {  	s7 =	sld [smem:$0x3FB5]  }
0x2d: {  	s3 =	simm.s32 $0x108;
	s8 =	sld [smem:$0x3FB6]  }
0x2e: {  	s3 =	simm.s32 @!p0 $0x1082;
	s9 =	sld [smem:$0x3FB7]  }
0x2f: {  	lr =	sadd.s32 s0, s3;
	s0 =	sld [smem:$0x3FAE]  }
0x30: {  	s3 =	sld [smem:$0x3FB1]  }
0x31: {  	[smem:$0x3FBA] =	sst s10  }
0x32: {  	s10 =	sld [smem:$0x3FB8];
	_ =	sdelay $0x3  }
0x33: {  	p0 =	seq.s32 s10, $0x1;
	s10 =	sld [smem:$0x3FBA];
	_ =	sdelay $0x3  }
0x34: {  	[smem:$0x3FBA] =	sst s10  }
0x35: {  	s10 =	sld [smem:$0x3FB9];
	_ =	sdelay $0x3  }
0x36: {  	p1 =	seq.s32 s10, $0x1;
	s10 =	sld [smem:$0x3FBA];
	_ =	sdelay $0x3  }
0x37: {  	[smem:$0x3FBA] =	sst s10  }
0x38: {  	s10 =	sld [smem:$0x3FBB]  }
0x39: {  	_ = 	snop;
	(pc) =	sbr.ind lr, $3  }
0x3a: {  	_ = 	snop  }
0x3b: {  	_ = 	snop  }
0x3c: {  	p2 =	seq.s32 s10, $0x1;
	s10 =	sld [smem:$0x3FBA]  }
0x3d: {  	_ =	shalt  }
0x3e: {  	_ =	shalt  }
0x3f: {  	_ =	shalt  }
0x40: {  	_ =	shalt  }
0x41: {  	_ =	shalt  }
0x42: {  	_ =	shalt  }
0x43: {  	_ =	shalt  }
0x44: {  	_ =	shalt  }
0x45: {  	_ =	shalt  }
0x46: {  	_ =	shalt  }
0x47: {  	_ =	shalt  }
0x48: {  	_ =	shalt  }
0x49: {  	_ =	shalt  }
0x4a: {  	_ =	shalt  }
0x4b: {  	_ =	shalt  }
0x4c: {  	_ =	shalt  }
0x4d: {  	_ =	shalt  }
0x4e: {  	_ =	shalt  }
0x4f: {  	_ =	shalt  }
0x50: {  	_ =	shalt  }
0x51: {  	_ =	shalt  }
0x52: {  	_ =	shalt  }
0x53: {  	_ =	shalt  }
0x54: {  	_ =	shalt  }
0x55: {  	_ =	shalt  }
0x56: {  	_ =	shalt  }
0x57: {  	_ =	shalt  }
0x58: {  	_ =	shalt  }
0x59: {  	_ =	shalt  }
0x5a: {  	_ =	shalt  }
0x5b: {  	_ =	shalt  }
0x5c: {  	_ =	shalt  }
0x5d: {  	_ =	shalt  }
0x5e: {  	_ =	shalt  }
0x5f: {  	_ =	shalt  }
0x60: {  	_ =	shalt  }
0x61: {  	_ =	shalt  }
0x62: {  	_ =	shalt  }
0x63: {  	_ =	shalt  }
0x64: {  	_ =	shalt  }
0x65: {  	_ =	shalt  }
0x66: {  	_ =	shalt  }
0x67: {  	_ =	shalt  }
0x68: {  	_ =	shalt  }
0x69: {  	_ =	shalt  }
0x6a: {  	_ =	shalt  }
0x6b: {  	_ =	shalt  }
0x6c: {  	_ =	shalt  }
0x6d: {  	_ =	shalt  }
0x6e: {  	_ =	shalt  }
0x6f: {  	_ =	shalt  }
0x70: {  	_ =	shalt  }
0x71: {  	_ =	shalt  }
0x72: {  	_ =	shalt  }
0x73: {  	_ =	shalt  }
0x74: {  	_ =	shalt  }
0x75: {  	_ =	shalt  }
0x76: {  	_ =	shalt  }
0x77: {  	_ =	shalt  }
0x78: {  	_ =	shalt  }
0x79: {  	_ =	shalt  }
0x7a: {  	_ =	shalt  }
0x7b: {  	_ =	shalt  }
0x7c: {  	_ =	shalt  }
0x7d: {  	_ =	shalt  }
0x7e: {  	_ =	shalt  }
0x7f: {  	_ =	shalt  }
0x80: {  	_ =	shalt  }
0x81: {  	_ =	shalt  }
0x82: {  	_ =	shalt  }
0x83: {  	_ =	shalt  }
0x84: {  	_ =	shalt  }
0x85: {  	_ =	shalt  }
0x86: {  	_ =	shalt  }
0x87: {  	_ =	shalt  }
.Lfunc_end0:
.L_simem_size_0:
called_computation_lowered:
.L_overlay_start_0:
0x88: {  	s2 =	sld [smem:$0x3FD9]  }
0x89: {  	s3 =	sld [smem:$0x3FFE];
	_ =	sdelay $0x1  }
0x8a: {  	s1 =	srdreg.scid  }
0x8b: {  	s0 =	sand.u32 $0x1, s1  }
0x8c: {  	s18 =	sshll.u32 s0, $0xA;
	s2 =	sadd.s32 s3, s2  }
0x8d: {  	s2 =	sadd.s32 s2, s18  }
0x8e: {  	[smem:$0x3FC6] =	sst s2  }
0x8f: {  	_ = 	snop  }
0x90: {  	s2 =	sld [smem:$0x3FC9]  }
0x91: {  	s19 =	sld [smem:$0x3FC8]  }
0x92: {  	s4 =	sld [smem:$0x3FD0];
	(tm) =	ssettm $0x1  }
0x93: {  	s5 =	sld [smem:$0x3FFB];
	_ =	sdelay $0x3  }
0x94: {  	_ =	strace s5  }
0x95: {  	s5 =	sld [smem:$0x3FFC];
	_ =	sdelay $0x3  }
0x96: {  	_ =	strace s5  }
0x97: {  	s5 =	sld [smem:$0x3FFD];
	_ =	sdelay $0x3  }
0x98: {  	_ =	strace s5  }
0x99: {  	_ =	strace $0x8FFFFFFF  }
0x9a: {  	s20 =	sld [smem:$0x3FDB];
	_ =	sdelay $0x1  }
0x9b: {  	s6 =	simm.s32 $_scs_section_size  }
0x9c: {  	s7 =	simm.s32 $_size__tile_overlayer_lowered;
	s8 =	simm.s32 $_tile_overlayer_lowered  }
0x9d: {  	s23 =	simm.s32 $0x1BFF;
	s22 =	sshll.u32 s8, $0x1;
	s5 =	sadd.s32 s6, s20  }
0x9e: {  	s9 =	simm.s32 $0x0;
	s21 =	sshll.u32 s7, $0x1;
	s7 =	sadd.s32 s22, s5  }
0x9f: {  	[timem:s9], [sflag:s23] =	dma.local [hbm:s7], s21  }
0xa0: {  	_ =	swait.ge [sflag:s23], s21  }
0xa1: {  	s6 =	ssub.s32 $0x0, s21;
	[sflag:s23] =	ssyncset.done $0x0  }
0xa2: {  	[sflag:s23] =	ssyncadd.s32 s6;
	_ =	sdelay $0x1  }
0xa3: {  	s24 =	simm.s32 $0x1B8B  }
0xa4: {  	_ =	swait.ge [sflag:s24], $0x1  }
0xa5: {  	[sflag:s24] =	ssyncset.done $0x0  }
0xa6: {  	s25 =	simm.s32 $0x1B8E;
	[sflag:s24] =	ssyncadd.s32 $0xFFFFFFFF  }
0xa7: {  	s26 =	simm.s32 $execute0_lowered;
	[smem:$0x3FD2] =	sst s25  }
0xa8: {  	s6 =	sshll.u32 s26, $0x1;
	_ =	strace $0x80000046;
	[dreg:$0x1] =	wrdreg $0xFFFFFFFF  }
0xa9: {  	s28 =	simm.s32 $_size_execute0_lowered;
	s5 =	sadd.s32 s5, s6;
	[dreg:$0x0] =	wrdreg $0x0  }
0xaa: {  	s6 =	sshll.u32 s28, $0x1;
	[dreg:$0x2] =	wrdreg s5  }
0xab: {  	[dreg:$0x3] =	wrdreg s6  }
0xac: {  	[dreg:$0x4] =	wrdreg $0xC0  }
0xad: {  	_ =	task [dreg:s9], $0x5FFFF  }
0xae: {  	[dreg:$0x1] =	wrdreg $0xFFFFFFFF  }
0xaf: {  	[dreg:$0x0] =	wrdreg $0x60  }
0xb0: {  	[dreg:$0x2] =	wrdreg s19  }
0xb1: {  	[dreg:$0x3] =	wrdreg s2  }
0xb2: {  	[dreg:$0x4] =	wrdreg s4  }
0xb3: {  	[dreg:$0x5] =	wrdreg $0x9  }
0xb4: {  	_ =	task.clear_ibuf [dreg:s9], $0x6FFFF;
	_ =	strace $0x90000046  }
0xb5: {  	s29 =	simm.s32 $0x9;
	_ =	strace $0x80000048  }
0xb6: {  	_ =	swait.ge [sflag:s29], $0x1  }
0xb7: {  	[sflag:s29] =	ssyncadd.s32 $0xFFFFFFFF  }
0xb8: {  	_ =	strace $0x90000048  }
0xb9: {  	_ =	sfence  }
0xba: {  	s30 =	sld [smem:$0x0];
	_ =	sdelay $0x2  }
0xbb: {  	s31 =	sshll.u32 s1, $0xD;
	s1 =	sshrl.u32 s1, $0x2  }
0xbc: {  	s3 =	sand.u32 $0x4000, s31;
	s1 =	sadd.s32 s1, s30  }
0xbd: {  	s0 =	sor.u32 s3, s0;
	s1 =	sshll.u32 s1, $0x11  }
0xbe: {  	s0 =	sor.u32 s1, s0  }
0xbf: {  	s0 =	sadd.s32 $0x8F2B, s0  }
0xc0: {  	[sflag:s0] =	ssyncadd.remote.s32 $0x1  }
0xc1: {  	_ =	sfence.sel $0xFFFF  }
0xc2: {  	[dreg:$0x0] =	wrdreg $0xFFFFFFFF;
	(pc) =	sbr.abs _section_cstart, $3  }
0xc3: {  	[dreg:$0x1] =	wrdreg $0xFFFFFFFF  }
0xc4: {  	_ =	task.clear_ibuf [dreg:s9], $0x2FFFF;
	_ =	strace $0x9FFFFFFF  }
0xc5: {  	(tm) =	ssettm $0x7FFFFFFF  }
tec
execute0_lowered:
.L_overlay_start_1:
0x0: {  	(tag) =	ssettag $0x1  }
0x1: {  	s1 =	rddreg [dreg:$0x0]  }
0x2: {  	s4 =	rddreg [dreg:$0x1]  }
0x3: {  	s5 =	rddreg [dreg:$0x2];
	s3 =	simm.s32 $0x0  }
0x4: {  	s18 =	simm.s32 $0x8A00;
	[smem:$0x7FF] =	sst s3  }
0x5: {  	s19 =	simm.s32 $0x9200;
	_ =	strace $0x80000047;
	[dreg:$0x8] =	wrdreg s18  }
0x6: {  	s20 =	simm.s32 $0x9A00;
	[dreg:$0x9] =	wrdreg s19  }
0x7: {  	s2 =	srdreg.scid;
	s21 =	simm.s32 $0xA200;
	[dreg:$0xa] =	wrdreg s20  }
0x8: {  	s0 =	stileid.u32;
	s22 =	simm.s32 $0xAA00;
	[dreg:$0xb] =	wrdreg s21  }
0x9: {  	s23 =	simm.s32 $0xB200;
	s24 =	simm.s32 $0xBA00;
	[dreg:$0xc] =	wrdreg s22  }
0xa: {  	s25 =	simm.s32 $0xC200;
	s8 =	simm.s32 $0xDA00;
	[dreg:$0xd] =	wrdreg s23  }
0xb: {  	s9 =	simm.s32 $0xE200;
	s10 =	simm.s32 $0xEA00;
	[dreg:$0xe] =	wrdreg s24  }
0xc: {  	s6 =	sshll.u32 s0, $0xA;
	s0 =	simm.s32 $0xCA00;
	[dreg:$0xf] =	wrdreg s25  }
0xd: {  	s11 =	simm.s32 $0xF200;
	s12 =	simm.s32 $0xFA00;
	[dreg:$0x10] =	wrdreg s0  }
0xe: {  	s13 =	simm.s32 $0x10A00;
	s14 =	simm.s32 $0x11200;
	[dreg:$0x12] =	wrdreg s8  }
0xf: {  	s15 =	simm.s32 $0x11A00;
	s28 =	simm.s32 $0x4;
	[dreg:$0x13] =	wrdreg s9  }
0x10: {  	s29 =	simm.s32 $0x2;
	s30 =	simm.s32 $0x3;
	[dreg:$0x14] =	wrdreg s10  }
0x11: {  	s31 =	simm.s32 $0x5;
	s2 =	sand.u32 $0x1, s2;
	[dreg:$0x15] =	wrdreg s11  }
0x12: {  	s7 =	sshll.u32 s2, $0x9;
	s2 =	ssub.s32 $0x2, s2;
	[dreg:$0x16] =	wrdreg s12  }
0x13: {  	s8 =	simm.s32 $0xA00;
	s9 =	simm.s32 $0x1200;
	[dreg:$0x17] =	wrdreg s13  }
0x14: {  	s10 =	simm.s32 $0x1A00;
	s11 =	simm.s32 $0x2200;
	[dreg:$0x18] =	wrdreg s14  }
0x15: {  	s12 =	simm.s32 $0x2A00;
	s13 =	simm.s32 $0x3200;
	[dreg:$0x19] =	wrdreg s15  }
0x16: {  	s14 =	simm.s32 $0x3A00;
	s15 =	simm.s32 $0x4200;
	s18 =	simm.s32 $0x13200  }
0x17: {  	s19 =	simm.s32 $0x13A00;
	s20 =	simm.s32 $0x14200;
	[dreg:$0x1c] =	wrdreg s18  }
0x18: {  	s21 =	simm.s32 $0x14A00;
	s22 =	simm.s32 $0x15200;
	[dreg:$0x1d] =	wrdreg s19  }
0x19: {  	s23 =	simm.s32 $0x15A00;
	s24 =	simm.s32 $0x16200;
	[dreg:$0x1e] =	wrdreg s20  }
0x1a: {  	s25 =	simm.s32 $0x16A00;
	s6 =	sor.u32 s7, s6;
	[dreg:$0x1f] =	wrdreg s21  }
0x1b: {  	s26 =	sshrl.u32 s2, $0x1;
	s18 =	simm.s32 $0x5A00;
	[smem:$0x7F9] =	sst s22  }
0x1c: {  	s19 =	simm.s32 $0x6200;
	s20 =	simm.s32 $0x6A00;
	[smem:$0x7FA] =	sst s23  }
0x1d: {  	s21 =	simm.s32 $0x7200;
	s22 =	simm.s32 $0x7A00;
	[smem:$0x7FB] =	sst s24  }
0x1e: {  	s23 =	simm.s32 $0x8200;
	[smem:$0x7FC] =	sst s25;
	s7 =	sshrl.u32 s6, $0x3  }
0x1f: {  	s6 =	sshll.u32 s6, $0x5;
	s2 =	ssub.s32 s2, s26;
	s26 =	simm.s32 $0x17200  }
0x20: {  	s7 =	sadd.s32 s4, s7;
	s4 =	sadd.s32 s5, s6;
	[smem:$0x7FD] =	sst s26  }
0x21: {  	s24 =	simm.s32 $0x10200;
	[dreg:$0x4] =	wrdreg s7;
	s5 =	sadd.s32 $0x1000, s4  }
0x22: {  	s6 =	simm.s32 $0x7;
	s16 =	sadd.s32 $0x2000, s4;
	[dreg:$0x5] =	wrdreg s5  }
0x23: {  	s26 =	simm.s32 $0x1;
	s17 =	sadd.s32 $0x3000, s4;
	[dreg:$0x6] =	wrdreg s16  }
0x24: {  	s7 =	simm.s32 $0xD200;
	[dreg:$0x7] =	wrdreg s17;
	s5 =	smax.u32 s2, $0x1  }
0x25: {  	v2 =	vlaneseq.u32;
	[dreg:$0x11] =	wrdreg s7;
	s7 =	simm.s32 $0x200;
	s16 =	simm.s32 $0x12200  }
0x26: {  	vm0 =	vmmov $0xffff;
	v1 =	vshrl.u32 v2, $0x3;
	s17 =	simm.s32 $0x12A00;
	s2 =	simm.s32 $0x6;
	[dreg:$0x1a] =	wrdreg s16  }
0x27: {  	v0 =	vand.u32 $0x7, v2;
	v2 =	vor.u32 $0x8, v2;
	v1 =	vmul.u32 $0x8, v1;
	[dreg:$0x1b] =	wrdreg s17;
	s16 =	simm.s32 $0x4A00;
	s17 =	simm.s32 $0x5200  }
.LBB2_1:
0x28: {  	s0 =	rddreg [dreg:$0x4]  }
0x29: {  	[tilespmem:s3], [sflag:$0x7] =	stream.linear.gather [hbm4b:s0+s3], $0x200, $0x38;
	[tilespmem:$0x18200] =	vst v63  }
0x2a: {  	_ =	swait.ge [sflag:s6], $0x200  }
0x2b: {  	[sflag:s6] =	ssyncset.done $0x0  }
0x2c: {  	[sflag:s6] =	ssyncadd.s32 $0xFFFFFE00  }
0x2d: {  	v3 =	vld [tilespmem:$0x0];
	_ =	sdelay $0x4  }
0x2e: {  	v4 =	vshll.u32 v3, $0x1  }
0x2f: {  	v3 =	vand.u32 $0x7, v3;
	v4 =	vand.u32 $0xFFFFFFF0, v4  }
0x30: {  	v3 =	vor.u32 v3, v4  }
0x31: {  	v4 =	vperm.xlane v3, v0;
	_ =	sdelay $0x1  }
0x32: {  	v3 =	vperm.xlane v3, v2;
	v4 =	vadd.s32 v1, v4;
	_ =	sdelay $0x1  }
0x33: {  	v3 =	vadd.s32 v1, v3;
	_ =	sdelay $0x2  }
0x34: {  	[tilespmem:s7], [sflag:$0x1] =	stream.indirect_vreg.gather [hbm4b:s1+s3], $0x80, v4, vm0, $0xb8;
	[tilespmem:$0x18200] =	vst v63  }
0x35: {  	_ = 	snop  }
0x36: {  	[tilespmem:s8], [sflag:$0x1] =	stream.indirect_vreg.gather [hbm4b:s1+s3], $0x80, v3, vm0, $0xb8;
	[tilespmem:$0x18200] =	vst v63  }
0x37: {  	v3 =	vld [tilespmem:$0x10];
	_ =	sdelay $0x4  }
0x38: {  	v33 =	vshll.u32 v3, $0x1  }
0x39: {  	v3 =	vand.u32 $0x7, v3;
	v4 =	vand.u32 $0xFFFFFFF0, v33  }
0x3a: {  	v3 =	vor.u32 v3, v4  }
0x3b: {  	v4 =	vperm.xlane v3, v0;
	_ =	sdelay $0x1  }
0x3c: {  	v3 =	vperm.xlane v3, v2;
	v4 =	vadd.s32 v1, v4;
	_ =	sdelay $0x1  }
0x3d: {  	v3 =	vadd.s32 v1, v3;
	_ =	sdelay $0x2  }
0x3e: {  	[tilespmem:s9], [sflag:$0x1] =	stream.indirect_vreg.gather [hbm4b:s1+s3], $0x80, v4, vm0, $0xb8;
	[tilespmem:$0x18200] =	vst v63  }
0x3f: {  	_ = 	snop  }
0x40: {  	[tilespmem:s10], [sflag:$0x1] =	stream.indirect_vreg.gather [hbm4b:s1+s3], $0x80, v3, vm0, $0xb8;
	[tilespmem:$0x18200] =	vst v63  }
0x41: {  	v3 =	vld [tilespmem:$0x20];
	_ =	sdelay $0x4  }
0x42: {  	v34 =	vshll.u32 v3, $0x1  }
0x43: {  	v3 =	vand.u32 $0x7, v3;
	v4 =	vand.u32 $0xFFFFFFF0, v34  }
0x44: {  	v3 =	vor.u32 v3, v4  }
0x45: {  	v4 =	vperm.xlane v3, v0;
	_ =	sdelay $0x1  }
0x46: {  	v3 =	vperm.xlane v3, v2;
	v4 =	vadd.s32 v1, v4;
	_ =	sdelay $0x1  }
0x47: {  	v3 =	vadd.s32 v1, v3;
	_ =	sdelay $0x2  }
0x48: {  	[tilespmem:s11], [sflag:$0x1] =	stream.indirect_vreg.gather [hbm4b:s1+s3], $0x80, v4, vm0, $0xb8;
	[tilespmem:$0x18200] =	vst v63  }
0x49: {  	_ = 	snop  }
0x4a: {  	[tilespmem:s12], [sflag:$0x1] =	stream.indirect_vreg.gather [hbm4b:s1+s3], $0x80, v3, vm0, $0xb8;
	[tilespmem:$0x18200] =	vst v63  }
0x4b: {  	v3 =	vld [tilespmem:$0x30];
	_ =	sdelay $0x4  }
0x4c: {  	v35 =	vshll.u32 v3, $0x1  }
0x4d: {  	v3 =	vand.u32 $0x7, v3;
	v4 =	vand.u32 $0xFFFFFFF0, v35  }
0x4e: {  	v3 =	vor.u32 v3, v4  }
0x4f: {  	v4 =	vperm.xlane v3, v0;
	_ =	sdelay $0x1  }
0x50: {  	v3 =	vperm.xlane v3, v2;
	v4 =	vadd.s32 v1, v4;
	_ =	sdelay $0x1  }
0x51: {  	v3 =	vadd.s32 v1, v3;
	_ =	sdelay $0x2  }
0x52: {  	[tilespmem:s13], [sflag:$0x1] =	stream.indirect_vreg.gather [hbm4b:s1+s3], $0x80, v4, vm0, $0xb8;
	[tilespmem:$0x18200] =	vst v63  }
0x53: {  	_ = 	snop  }
0x54: {  	[tilespmem:s14], [sflag:$0x1] =	stream.indirect_vreg.gather [hbm4b:s1+s3], $0x80, v3, vm0, $0xb8;
	[tilespmem:$0x18200] =	vst v63  }
0x55: {  	v3 =	vld [tilespmem:$0x40];
	_ =	sdelay $0x4  }
0x56: {  	v36 =	vshll.u32 v3, $0x1  }
0x57: {  	v3 =	vand.u32 $0x7, v3;
	v4 =	vand.u32 $0xFFFFFFF0, v36  }
0x58: {  	v3 =	vor.u32 v3, v4  }
0x59: {  	v4 =	vperm.xlane v3, v0;
	_ =	sdelay $0x1  }
0x5a: {  	v3 =	vperm.xlane v3, v2;
	v4 =	vadd.s32 v1, v4;
	_ =	sdelay $0x1  }
0x5b: {  	v3 =	vadd.s32 v1, v3;
	_ =	sdelay $0x2  }
0x5c: {  	[tilespmem:s15], [sflag:$0x1] =	stream.indirect_vreg.gather [hbm4b:s1+s3], $0x80, v4, vm0, $0xb8;
	[tilespmem:$0x18200] =	vst v63  }
0x5d: {  	_ = 	snop  }
0x5e: {  	[tilespmem:s16], [sflag:$0x1] =	stream.indirect_vreg.gather [hbm4b:s1+s3], $0x80, v3, vm0, $0xb8;
	[tilespmem:$0x18200] =	vst v63  }
0x5f: {  	v3 =	vld [tilespmem:$0x50];
	_ =	sdelay $0x4  }
0x60: {  	v37 =	vshll.u32 v3, $0x1  }
0x61: {  	v3 =	vand.u32 $0x7, v3;
	v4 =	vand.u32 $0xFFFFFFF0, v37  }
0x62: {  	v3 =	vor.u32 v3, v4  }
0x63: {  	v4 =	vperm.xlane v3, v0;
	_ =	sdelay $0x1  }
0x64: {  	v3 =	vperm.xlane v3, v2;
	v4 =	vadd.s32 v1, v4;
	_ =	sdelay $0x1  }
0x65: {  	v3 =	vadd.s32 v1, v3;
	_ =	sdelay $0x2  }
0x66: {  	[tilespmem:s17], [sflag:$0x1] =	stream.indirect_vreg.gather [hbm4b:s1+s3], $0x80, v4, vm0, $0xb8;
	[tilespmem:$0x18200] =	vst v63  }
0x67: {  	_ = 	snop  }
0x68: {  	[tilespmem:s18], [sflag:$0x1] =	stream.indirect_vreg.gather [hbm4b:s1+s3], $0x80, v3, vm0, $0xb8;
	[tilespmem:$0x18200] =	vst v63  }
0x69: {  	v3 =	vld [tilespmem:$0x60];
	_ =	sdelay $0x4  }
0x6a: {  	v38 =	vshll.u32 v3, $0x1  }
0x6b: {  	v3 =	vand.u32 $0x7, v3;
	v4 =	vand.u32 $0xFFFFFFF0, v38  }
0x6c: {  	v3 =	vor.u32 v3, v4  }
0x6d: {  	v4 =	vperm.xlane v3, v0;
	_ =	sdelay $0x1  }
0x6e: {  	v3 =	vperm.xlane v3, v2;
	v4 =	vadd.s32 v1, v4;
	_ =	sdelay $0x1  }
0x6f: {  	v3 =	vadd.s32 v1, v3;
	_ =	sdelay $0x2  }
0x70: {  	[tilespmem:s19], [sflag:$0x1] =	stream.indirect_vreg.gather [hbm4b:s1+s3], $0x80, v4, vm0, $0xb8;
	[tilespmem:$0x18200] =	vst v63  }
0x71: {  	_ = 	snop  }
0x72: {  	[tilespmem:s20], [sflag:$0x1] =	stream.indirect_vreg.gather [hbm4b:s1+s3], $0x80, v3, vm0, $0xb8;
	[tilespmem:$0x18200] =	vst v63  }
0x73: {  	v3 =	vld [tilespmem:$0x70];
	_ =	sdelay $0x4  }
0x74: {  	v39 =	vshll.u32 v3, $0x1  }
0x75: {  	v3 =	vand.u32 $0x7, v3;
	v4 =	vand.u32 $0xFFFFFFF0, v39  }
0x76: {  	v3 =	vor.u32 v3, v4  }
0x77: {  	v4 =	vperm.xlane v3, v0;
	_ =	sdelay $0x1  }
0x78: {  	v3 =	vperm.xlane v3, v2;
	v4 =	vadd.s32 v1, v4;
	_ =	sdelay $0x1  }
0x79: {  	v3 =	vadd.s32 v1, v3;
	_ =	sdelay $0x2  }
0x7a: {  	[tilespmem:s21], [sflag:$0x1] =	stream.indirect_vreg.gather [hbm4b:s1+s3], $0x80, v4, vm0, $0xb8;
	[tilespmem:$0x18200] =	vst v63  }
0x7b: {  	_ = 	snop  }
0x7c: {  	[tilespmem:s22], [sflag:$0x1] =	stream.indirect_vreg.gather [hbm4b:s1+s3], $0x80, v3, vm0, $0xb8;
	[tilespmem:$0x18200] =	vst v63  }
0x7d: {  	v3 =	vld [tilespmem:$0x80];
	_ =	sdelay $0x4  }
0x7e: {  	v40 =	vshll.u32 v3, $0x1  }
0x7f: {  	v3 =	vand.u32 $0x7, v3;
	v4 =	vand.u32 $0xFFFFFFF0, v40  }
0x80: {  	v3 =	vor.u32 v3, v4  }
0x81: {  	v4 =	vperm.xlane v3, v0;
	_ =	sdelay $0x1  }
0x82: {  	v3 =	vperm.xlane v3, v2;
	v4 =	vadd.s32 v1, v4;
	_ =	sdelay $0x1  }
0x83: {  	v3 =	vadd.s32 v1, v3;
	_ =	sdelay $0x2  }
0x84: {  	[tilespmem:s23], [sflag:$0x2] =	stream.indirect_vreg.gather [hbm4b:s1+s3], $0x80, v4, vm0, $0xb8;
	[tilespmem:$0x18200] =	vst v63  }
0x85: {  	s25 =	rddreg [dreg:$0x8]  }
0x86: {  	[tilespmem:s25], [sflag:$0x2] =	stream.indirect_vreg.gather [hbm4b:s1+s3], $0x80, v3, vm0, $0xb8;
	[tilespmem:$0x18200] =	vst v63  }
0x87: {  	v3 =	vld [tilespmem:$0x90];
	_ =	sdelay $0x4  }
0x88: {  	v41 =	vshll.u32 v3, $0x1  }
0x89: {  	v3 =	vand.u32 $0x7, v3;
	v4 =	vand.u32 $0xFFFFFFF0, v41  }
0x8a: {  	v3 =	vor.u32 v3, v4  }
0x8b: {  	v4 =	vperm.xlane v3, v0;
	_ =	sdelay $0x1  }
0x8c: {  	v3 =	vperm.xlane v3, v2;
	v4 =	vadd.s32 v1, v4;
	_ =	sdelay $0x1  }
0x8d: {  	v3 =	vadd.s32 v1, v3;
	_ =	sdelay $0x1  }
0x8e: {  	s0 =	rddreg [dreg:$0x9]  }
0x8f: {  	[tilespmem:s0], [sflag:$0x2] =	stream.indirect_vreg.gather [hbm4b:s1+s3], $0x80, v4, vm0, $0xb8;
	[tilespmem:$0x18200] =	vst v63  }
0x90: {  	s25 =	rddreg [dreg:$0xa]  }
0x91: {  	[tilespmem:s25], [sflag:$0x2] =	stream.indirect_vreg.gather [hbm4b:s1+s3], $0x80, v3, vm0, $0xb8;
	[tilespmem:$0x18200] =	vst v63  }
0x92: {  	v3 =	vld [tilespmem:$0xA0];
	_ =	sdelay $0x4  }
0x93: {  	v42 =	vshll.u32 v3, $0x1  }
0x94: {  	v3 =	vand.u32 $0x7, v3;
	v4 =	vand.u32 $0xFFFFFFF0, v42  }
0x95: {  	v3 =	vor.u32 v3, v4  }
0x96: {  	v4 =	vperm.xlane v3, v0;
	_ =	sdelay $0x1  }
0x97: {  	v3 =	vperm.xlane v3, v2;
	v4 =	vadd.s32 v1, v4;
	_ =	sdelay $0x1  }
0x98: {  	v3 =	vadd.s32 v1, v3;
	_ =	sdelay $0x1  }
0x99: {  	s0 =	rddreg [dreg:$0xb]  }
0x9a: {  	[tilespmem:s0], [sflag:$0x2] =	stream.indirect_vreg.gather [hbm4b:s1+s3], $0x80, v4, vm0, $0xb8;
	[tilespmem:$0x18200] =	vst v63  }
0x9b: {  	s25 =	rddreg [dreg:$0xc]  }
0x9c: {  	[tilespmem:s25], [sflag:$0x2] =	stream.indirect_vreg.gather [hbm4b:s1+s3], $0x80, v3, vm0, $0xb8;
	[tilespmem:$0x18200] =	vst v63  }
0x9d: {  	v3 =	vld [tilespmem:$0xB0];
	_ =	sdelay $0x4  }
0x9e: {  	v43 =	vshll.u32 v3, $0x1  }
0x9f: {  	v3 =	vand.u32 $0x7, v3;
	v4 =	vand.u32 $0xFFFFFFF0, v43  }
0xa0: {  	v3 =	vor.u32 v3, v4  }
0xa1: {  	v4 =	vperm.xlane v3, v0;
	_ =	sdelay $0x1  }
0xa2: {  	v3 =	vperm.xlane v3, v2;
	v4 =	vadd.s32 v1, v4;
	_ =	sdelay $0x1  }
0xa3: {  	v3 =	vadd.s32 v1, v3;
	_ =	sdelay $0x1  }
0xa4: {  	s0 =	rddreg [dreg:$0xd]  }
0xa5: {  	[tilespmem:s0], [sflag:$0x2] =	stream.indirect_vreg.gather [hbm4b:s1+s3], $0x80, v4, vm0, $0xb8;
	[tilespmem:$0x18200] =	vst v63  }
0xa6: {  	s25 =	rddreg [dreg:$0xe]  }
0xa7: {  	[tilespmem:s25], [sflag:$0x2] =	stream.indirect_vreg.gather [hbm4b:s1+s3], $0x80, v3, vm0, $0xb8;
	[tilespmem:$0x18200] =	vst v63  }
0xa8: {  	v3 =	vld [tilespmem:$0xC0];
	_ =	sdelay $0x4  }
0xa9: {  	v44 =	vshll.u32 v3, $0x1  }
0xaa: {  	v3 =	vand.u32 $0x7, v3;
	v4 =	vand.u32 $0xFFFFFFF0, v44  }
0xab: {  	v3 =	vor.u32 v3, v4  }
0xac: {  	v4 =	vperm.xlane v3, v0;
	_ =	sdelay $0x1  }
0xad: {  	v3 =	vperm.xlane v3, v2;
	v4 =	vadd.s32 v1, v4;
	_ =	sdelay $0x1  }
0xae: {  	v3 =	vadd.s32 v1, v3;
	_ =	sdelay $0x1  }
0xaf: {  	s0 =	rddreg [dreg:$0xf]  }
0xb0: {  	[tilespmem:s0], [sflag:$0x2] =	stream.indirect_vreg.gather [hbm4b:s1+s3], $0x80, v4, vm0, $0xb8;
	[tilespmem:$0x18200] =	vst v63  }
0xb1: {  	s25 =	rddreg [dreg:$0x10]  }
0xb2: {  	[tilespmem:s25], [sflag:$0x2] =	stream.indirect_vreg.gather [hbm4b:s1+s3], $0x80, v3, vm0, $0xb8;
	[tilespmem:$0x18200] =	vst v63  }
0xb3: {  	v3 =	vld [tilespmem:$0xD0];
	_ =	sdelay $0x4  }
0xb4: {  	v45 =	vshll.u32 v3, $0x1  }
0xb5: {  	v3 =	vand.u32 $0x7, v3;
	v4 =	vand.u32 $0xFFFFFFF0, v45  }
0xb6: {  	v3 =	vor.u32 v3, v4  }
0xb7: {  	v4 =	vperm.xlane v3, v0;
	_ =	sdelay $0x1  }
0xb8: {  	v3 =	vperm.xlane v3, v2;
	v4 =	vadd.s32 v1, v4;
	_ =	sdelay $0x1  }
0xb9: {  	v3 =	vadd.s32 v1, v3;
	_ =	sdelay $0x1  }
0xba: {  	s0 =	rddreg [dreg:$0x11]  }
0xbb: {  	[tilespmem:s0], [sflag:$0x2] =	stream.indirect_vreg.gather [hbm4b:s1+s3], $0x80, v4, vm0, $0xb8;
	[tilespmem:$0x18200] =	vst v63  }
0xbc: {  	s25 =	rddreg [dreg:$0x12]  }
0xbd: {  	[tilespmem:s25], [sflag:$0x2] =	stream.indirect_vreg.gather [hbm4b:s1+s3], $0x80, v3, vm0, $0xb8;
	[tilespmem:$0x18200] =	vst v63  }
0xbe: {  	v3 =	vld [tilespmem:$0xE0];
	_ =	sdelay $0x4  }
0xbf: {  	v46 =	vshll.u32 v3, $0x1  }
0xc0: {  	v3 =	vand.u32 $0x7, v3;
	v4 =	vand.u32 $0xFFFFFFF0, v46  }
0xc1: {  	v3 =	vor.u32 v3, v4  }
0xc2: {  	v4 =	vperm.xlane v3, v0;
	_ =	sdelay $0x1  }
0xc3: {  	v3 =	vperm.xlane v3, v2;
	v4 =	vadd.s32 v1, v4;
	_ =	sdelay $0x1  }
0xc4: {  	v3 =	vadd.s32 v1, v3;
	_ =	sdelay $0x1  }
0xc5: {  	s0 =	rddreg [dreg:$0x13]  }
0xc6: {  	[tilespmem:s0], [sflag:$0x2] =	stream.indirect_vreg.gather [hbm4b:s1+s3], $0x80, v4, vm0, $0xb8;
	[tilespmem:$0x18200] =	vst v63  }
0xc7: {  	s25 =	rddreg [dreg:$0x14]  }
0xc8: {  	[tilespmem:s25], [sflag:$0x2] =	stream.indirect_vreg.gather [hbm4b:s1+s3], $0x80, v3, vm0, $0xb8;
	[tilespmem:$0x18200] =	vst v63  }
0xc9: {  	v3 =	vld [tilespmem:$0xF0];
	_ =	sdelay $0x4  }
0xca: {  	v47 =	vshll.u32 v3, $0x1  }
0xcb: {  	v3 =	vand.u32 $0x7, v3;
	v4 =	vand.u32 $0xFFFFFFF0, v47  }
0xcc: {  	v3 =	vor.u32 v3, v4  }
0xcd: {  	v4 =	vperm.xlane v3, v0;
	_ =	sdelay $0x1  }
0xce: {  	v3 =	vperm.xlane v3, v2;
	v4 =	vadd.s32 v1, v4;
	_ =	sdelay $0x1  }
0xcf: {  	v3 =	vadd.s32 v1, v3;
	_ =	sdelay $0x1  }
0xd0: {  	s0 =	rddreg [dreg:$0x15]  }
0xd1: {  	[tilespmem:s0], [sflag:$0x2] =	stream.indirect_vreg.gather [hbm4b:s1+s3], $0x80, v4, vm0, $0xb8;
	[tilespmem:$0x18200] =	vst v63  }
0xd2: {  	s25 =	rddreg [dreg:$0x16]  }
0xd3: {  	[tilespmem:s25], [sflag:$0x2] =	stream.indirect_vreg.gather [hbm4b:s1+s3], $0x80, v3, vm0, $0xb8;
	[tilespmem:$0x18200] =	vst v63  }
0xd4: {  	v3 =	vld [tilespmem:$0x100];
	_ =	sdelay $0x4  }
0xd5: {  	v48 =	vshll.u32 v3, $0x1  }
0xd6: {  	v3 =	vand.u32 $0x7, v3;
	v4 =	vand.u32 $0xFFFFFFF0, v48  }
0xd7: {  	v3 =	vor.u32 v3, v4  }
0xd8: {  	v4 =	vperm.xlane v3, v0;
	_ =	sdelay $0x1  }
0xd9: {  	v3 =	vperm.xlane v3, v2;
	v4 =	vadd.s32 v1, v4;
	_ =	sdelay $0x1  }
0xda: {  	v3 =	vadd.s32 v1, v3;
	_ =	sdelay $0x2  }
0xdb: {  	[tilespmem:s24], [sflag:$0x3] =	stream.indirect_vreg.gather [hbm4b:s1+s3], $0x80, v4, vm0, $0xb8;
	[tilespmem:$0x18200] =	vst v63  }
0xdc: {  	s25 =	rddreg [dreg:$0x17]  }
0xdd: {  	[tilespmem:s25], [sflag:$0x3] =	stream.indirect_vreg.gather [hbm4b:s1+s3], $0x80, v3, vm0, $0xb8;
	[tilespmem:$0x18200] =	vst v63  }
0xde: {  	v3 =	vld [tilespmem:$0x110];
	_ =	sdelay $0x4  }
0xdf: {  	v49 =	vshll.u32 v3, $0x1  }
0xe0: {  	v3 =	vand.u32 $0x7, v3;
	v4 =	vand.u32 $0xFFFFFFF0, v49  }
0xe1: {  	v3 =	vor.u32 v3, v4  }
0xe2: {  	v4 =	vperm.xlane v3, v0;
	_ =	sdelay $0x1  }
0xe3: {  	v3 =	vperm.xlane v3, v2;
	v4 =	vadd.s32 v1, v4;
	_ =	sdelay $0x1  }
0xe4: {  	v3 =	vadd.s32 v1, v3;
	_ =	sdelay $0x1  }
0xe5: {  	s0 =	rddreg [dreg:$0x18]  }
0xe6: {  	[tilespmem:s0], [sflag:$0x3] =	stream.indirect_vreg.gather [hbm4b:s1+s3], $0x80, v4, vm0, $0xb8;
	[tilespmem:$0x18200] =	vst v63  }
0xe7: {  	s25 =	rddreg [dreg:$0x19]  }
0xe8: {  	[tilespmem:s25], [sflag:$0x3] =	stream.indirect_vreg.gather [hbm4b:s1+s3], $0x80, v3, vm0, $0xb8;
	[tilespmem:$0x18200] =	vst v63  }
0xe9: {  	v3 =	vld [tilespmem:$0x120];
	_ =	sdelay $0x4  }
0xea: {  	v50 =	vshll.u32 v3, $0x1  }
0xeb: {  	v3 =	vand.u32 $0x7, v3;
	v4 =	vand.u32 $0xFFFFFFF0, v50  }
0xec: {  	v3 =	vor.u32 v3, v4  }
0xed: {  	v4 =	vperm.xlane v3, v0;
	_ =	sdelay $0x1  }
0xee: {  	v3 =	vperm.xlane v3, v2;
	v4 =	vadd.s32 v1, v4;
	_ =	sdelay $0x1  }
0xef: {  	v3 =	vadd.s32 v1, v3;
	_ =	sdelay $0x1  }
0xf0: {  	s0 =	rddreg [dreg:$0x1a]  }
0xf1: {  	[tilespmem:s0], [sflag:$0x3] =	stream.indirect_vreg.gather [hbm4b:s1+s3], $0x80, v4, vm0, $0xb8;
	[tilespmem:$0x18200] =	vst v63  }
0xf2: {  	s25 =	rddreg [dreg:$0x1b]  }
0xf3: {  	[tilespmem:s25], [sflag:$0x3] =	stream.indirect_vreg.gather [hbm4b:s1+s3], $0x80, v3, vm0, $0xb8;
	[tilespmem:$0x18200] =	vst v63  }
0xf4: {  	v3 =	vld [tilespmem:$0x130];
	_ =	sdelay $0x4  }
0xf5: {  	v51 =	vshll.u32 v3, $0x1  }
0xf6: {  	v3 =	vand.u32 $0x7, v3;
	v4 =	vand.u32 $0xFFFFFFF0, v51  }
0xf7: {  	v3 =	vor.u32 v3, v4  }
0xf8: {  	v4 =	vperm.xlane v3, v0;
	_ =	sdelay $0x1  }
0xf9: {  	v3 =	vperm.xlane v3, v2;
	v4 =	vadd.s32 v1, v4;
	_ =	sdelay $0x1  }
0xfa: {  	v3 =	vadd.s32 v1, v3;
	_ =	sdelay $0x1  }
0xfb: {  	s0 =	rddreg [dreg:$0x1c]  }
0xfc: {  	[tilespmem:s0], [sflag:$0x3] =	stream.indirect_vreg.gather [hbm4b:s1+s3], $0x80, v4, vm0, $0xb8;
	[tilespmem:$0x18200] =	vst v63  }
0xfd: {  	s25 =	rddreg [dreg:$0x1d]  }
0xfe: {  	[tilespmem:s25], [sflag:$0x3] =	stream.indirect_vreg.gather [hbm4b:s1+s3], $0x80, v3, vm0, $0xb8;
	[tilespmem:$0x18200] =	vst v63  }
0xff: {  	v3 =	vld [tilespmem:$0x140];
	_ =	sdelay $0x4  }
0x100: {  	v52 =	vshll.u32 v3, $0x1  }
0x101: {  	v3 =	vand.u32 $0x7, v3;
	v4 =	vand.u32 $0xFFFFFFF0, v52  }
0x102: {  	v3 =	vor.u32 v3, v4  }
0x103: {  	v4 =	vperm.xlane v3, v0;
	_ =	sdelay $0x1  }
0x104: {  	v3 =	vperm.xlane v3, v2;
	v4 =	vadd.s32 v1, v4;
	_ =	sdelay $0x1  }
0x105: {  	v3 =	vadd.s32 v1, v3;
	_ =	sdelay $0x1  }
0x106: {  	s0 =	rddreg [dreg:$0x1e]  }
0x107: {  	[tilespmem:s0], [sflag:$0x3] =	stream.indirect_vreg.gather [hbm4b:s1+s3], $0x80, v4, vm0, $0xb8;
	[tilespmem:$0x18200] =	vst v63  }
0x108: {  	s25 =	rddreg [dreg:$0x1f]  }
0x109: {  	[tilespmem:s25], [sflag:$0x3] =	stream.indirect_vreg.gather [hbm4b:s1+s3], $0x80, v3, vm0, $0xb8;
	[tilespmem:$0x18200] =	vst v63  }
0x10a: {  	v3 =	vld [tilespmem:$0x150];
	_ =	sdelay $0x4  }
0x10b: {  	v53 =	vshll.u32 v3, $0x1  }
0x10c: {  	v3 =	vand.u32 $0x7, v3;
	v4 =	vand.u32 $0xFFFFFFF0, v53  }
0x10d: {  	v3 =	vor.u32 v3, v4  }
0x10e: {  	v4 =	vperm.xlane v3, v0;
	_ =	sdelay $0x1  }
0x10f: {  	v3 =	vperm.xlane v3, v2;
	v4 =	vadd.s32 v1, v4;
	_ =	sdelay $0x1  }
0x110: {  	s0 =	sld [smem:$0x7F9];
	v3 =	vadd.s32 v1, v3;
	_ =	sdelay $0x1  }
0x111: {  	s25 =	sld [smem:$0x7FA]  }
0x112: {  	[tilespmem:s0], [sflag:$0x3] =	stream.indirect_vreg.gather [hbm4b:s1+s3], $0x80, v4, vm0, $0xb8;
	[tilespmem:$0x18200] =	vst v63  }
0x113: {  	_ = 	snop  }
0x114: {  	[tilespmem:s25], [sflag:$0x3] =	stream.indirect_vreg.gather [hbm4b:s1+s3], $0x80, v3, vm0, $0xb8;
	[tilespmem:$0x18200] =	vst v63  }
0x115: {  	v3 =	vld [tilespmem:$0x160];
	_ =	sdelay $0x4  }
0x116: {  	v54 =	vshll.u32 v3, $0x1  }
0x117: {  	v3 =	vand.u32 $0x7, v3;
	v4 =	vand.u32 $0xFFFFFFF0, v54  }
0x118: {  	v3 =	vor.u32 v3, v4  }
0x119: {  	v4 =	vperm.xlane v3, v0;
	_ =	sdelay $0x1  }
0x11a: {  	v3 =	vperm.xlane v3, v2;
	v4 =	vadd.s32 v1, v4;
	_ =	sdelay $0x1  }
0x11b: {  	s0 =	sld [smem:$0x7FB];
	v3 =	vadd.s32 v1, v3;
	_ =	sdelay $0x1  }
0x11c: {  	s25 =	sld [smem:$0x7FC]  }
0x11d: {  	[tilespmem:s0], [sflag:$0x3] =	stream.indirect_vreg.gather [hbm4b:s1+s3], $0x80, v4, vm0, $0xb8;
	[tilespmem:$0x18200] =	vst v63  }
0x11e: {  	_ = 	snop  }
0x11f: {  	[tilespmem:s25], [sflag:$0x3] =	stream.indirect_vreg.gather [hbm4b:s1+s3], $0x80, v3, vm0, $0xb8;
	[tilespmem:$0x18200] =	vst v63  }
0x120: {  	v3 =	vld [tilespmem:$0x170];
	_ =	sdelay $0x4  }
0x121: {  	v55 =	vshll.u32 v3, $0x1  }
0x122: {  	v3 =	vand.u32 $0x7, v3;
	v4 =	vand.u32 $0xFFFFFFF0, v55  }
0x123: {  	v3 =	vor.u32 v3, v4  }
0x124: {  	v4 =	vperm.xlane v3, v0;
	_ =	sdelay $0x1  }
0x125: {  	v3 =	vperm.xlane v3, v2;
	v4 =	vadd.s32 v1, v4;
	_ =	sdelay $0x1  }
0x126: {  	s25 =	sld [smem:$0x7FD];
	v3 =	vadd.s32 v1, v3;
	_ =	sdelay $0x2  }
0x127: {  	[tilespmem:s25], [sflag:$0x3] =	stream.indirect_vreg.gather [hbm4b:s1+s3], $0x80, v4, vm0, $0xb8;
	[tilespmem:$0x18200] =	vst v63  }
0x128: {  	s25 =	simm.s32 $0x17A00  }
0x129: {  	[tilespmem:s25], [sflag:$0x3] =	stream.indirect_vreg.gather [hbm4b:s1+s3], $0x80, v3, vm0, $0xb8;
	[tilespmem:$0x18200] =	vst v63  }
0x12a: {  	_ =	swait.ge [sflag:s26], $0x8000  }
0x12b: {  	[sflag:s26] =	ssyncset.done $0x0  }
0x12c: {  	[sflag:s26] =	ssyncadd.s32 $0xFFFF8000  }
0x12d: {  	[hbm4b:s4+s3] =	stream.linear.scatter [tilespmem:s7], [sflag:$0x4], $0x8000, $0x38;
	[tilespmem:$0x18200] =	vst v63  }
0x12e: {  	_ =	swait.ge [sflag:s28], $0x8000  }
0x12f: {  	[sflag:s28] =	ssyncset.done $0x0  }
0x130: {  	[sflag:s28] =	ssyncadd.s32 $0xFFFF8000  }
0x131: {  	v3 =	vld [tilespmem:$0x180];
	_ =	sdelay $0x4  }
0x132: {  	v56 =	vshll.u32 v3, $0x1  }
0x133: {  	v3 =	vand.u32 $0x7, v3;
	v4 =	vand.u32 $0xFFFFFFF0, v56  }
0x134: {  	v3 =	vor.u32 v3, v4  }
0x135: {  	v4 =	vperm.xlane v3, v0;
	_ =	sdelay $0x1  }
0x136: {  	v3 =	vperm.xlane v3, v2;
	v4 =	vadd.s32 v1, v4;
	_ =	sdelay $0x1  }
0x137: {  	v3 =	vadd.s32 v1, v3;
	_ =	sdelay $0x2  }
0x138: {  	[tilespmem:s7], [sflag:$0x1] =	stream.indirect_vreg.gather [hbm4b:s1+s3], $0x80, v4, vm0, $0xb8;
	[tilespmem:$0x18200] =	vst v63  }
0x139: {  	_ = 	snop  }
0x13a: {  	[tilespmem:s8], [sflag:$0x1] =	stream.indirect_vreg.gather [hbm4b:s1+s3], $0x80, v3, vm0, $0xb8;
	[tilespmem:$0x18200] =	vst v63  }
0x13b: {  	v3 =	vld [tilespmem:$0x190];
	_ =	sdelay $0x4  }
0x13c: {  	v57 =	vshll.u32 v3, $0x1  }
0x13d: {  	v3 =	vand.u32 $0x7, v3;
	v4 =	vand.u32 $0xFFFFFFF0, v57  }
0x13e: {  	v3 =	vor.u32 v3, v4  }
0x13f: {  	v4 =	vperm.xlane v3, v0;
	_ =	sdelay $0x1  }
0x140: {  	v3 =	vperm.xlane v3, v2;
	v4 =	vadd.s32 v1, v4;
	_ =	sdelay $0x1  }
0x141: {  	v3 =	vadd.s32 v1, v3;
	_ =	sdelay $0x2  }
0x142: {  	[tilespmem:s9], [sflag:$0x1] =	stream.indirect_vreg.gather [hbm4b:s1+s3], $0x80, v4, vm0, $0xb8;
	[tilespmem:$0x18200] =	vst v63  }
0x143: {  	_ = 	snop  }
0x144: {  	[tilespmem:s10], [sflag:$0x1] =	stream.indirect_vreg.gather [hbm4b:s1+s3], $0x80, v3, vm0, $0xb8;
	[tilespmem:$0x18200] =	vst v63  }
0x145: {  	v3 =	vld [tilespmem:$0x1A0];
	_ =	sdelay $0x4  }
0x146: {  	v58 =	vshll.u32 v3, $0x1  }
0x147: {  	v3 =	vand.u32 $0x7, v3;
	v4 =	vand.u32 $0xFFFFFFF0, v58  }
0x148: {  	v3 =	vor.u32 v3, v4  }
0x149: {  	v4 =	vperm.xlane v3, v0;
	_ =	sdelay $0x1  }
0x14a: {  	v3 =	vperm.xlane v3, v2;
	v4 =	vadd.s32 v1, v4;
	_ =	sdelay $0x1  }
0x14b: {  	v3 =	vadd.s32 v1, v3;
	_ =	sdelay $0x2  }
0x14c: {  	[tilespmem:s11], [sflag:$0x1] =	stream.indirect_vreg.gather [hbm4b:s1+s3], $0x80, v4, vm0, $0xb8;
	[tilespmem:$0x18200] =	vst v63  }
0x14d: {  	_ = 	snop  }
0x14e: {  	[tilespmem:s12], [sflag:$0x1] =	stream.indirect_vreg.gather [hbm4b:s1+s3], $0x80, v3, vm0, $0xb8;
	[tilespmem:$0x18200] =	vst v63  }
0x14f: {  	v3 =	vld [tilespmem:$0x1B0];
	_ =	sdelay $0x4  }
0x150: {  	v59 =	vshll.u32 v3, $0x1  }
0x151: {  	v3 =	vand.u32 $0x7, v3;
	v4 =	vand.u32 $0xFFFFFFF0, v59  }
0x152: {  	v3 =	vor.u32 v3, v4  }
0x153: {  	v4 =	vperm.xlane v3, v0;
	_ =	sdelay $0x1  }
0x154: {  	v3 =	vperm.xlane v3, v2;
	v4 =	vadd.s32 v1, v4;
	_ =	sdelay $0x1  }
0x155: {  	v3 =	vadd.s32 v1, v3;
	_ =	sdelay $0x2  }
0x156: {  	[tilespmem:s13], [sflag:$0x1] =	stream.indirect_vreg.gather [hbm4b:s1+s3], $0x80, v4, vm0, $0xb8;
	[tilespmem:$0x18200] =	vst v63  }
0x157: {  	_ = 	snop  }
0x158: {  	[tilespmem:s14], [sflag:$0x1] =	stream.indirect_vreg.gather [hbm4b:s1+s3], $0x80, v3, vm0, $0xb8;
	[tilespmem:$0x18200] =	vst v63  }
0x159: {  	v3 =	vld [tilespmem:$0x1C0];
	_ =	sdelay $0x4  }
0x15a: {  	v60 =	vshll.u32 v3, $0x1  }
0x15b: {  	v3 =	vand.u32 $0x7, v3;
	v4 =	vand.u32 $0xFFFFFFF0, v60  }
0x15c: {  	v3 =	vor.u32 v3, v4  }
0x15d: {  	v4 =	vperm.xlane v3, v0;
	_ =	sdelay $0x1  }
0x15e: {  	v3 =	vperm.xlane v3, v2;
	v4 =	vadd.s32 v1, v4;
	_ =	sdelay $0x1  }
0x15f: {  	v3 =	vadd.s32 v1, v3;
	_ =	sdelay $0x2  }
0x160: {  	[tilespmem:s15], [sflag:$0x1] =	stream.indirect_vreg.gather [hbm4b:s1+s3], $0x80, v4, vm0, $0xb8;
	[tilespmem:$0x18200] =	vst v63  }
0x161: {  	_ = 	snop  }
0x162: {  	[tilespmem:s16], [sflag:$0x1] =	stream.indirect_vreg.gather [hbm4b:s1+s3], $0x80, v3, vm0, $0xb8;
	[tilespmem:$0x18200] =	vst v63  }
0x163: {  	v3 =	vld [tilespmem:$0x1D0];
	_ =	sdelay $0x4  }
0x164: {  	v61 =	vshll.u32 v3, $0x1  }
0x165: {  	v3 =	vand.u32 $0x7, v3;
	v4 =	vand.u32 $0xFFFFFFF0, v61  }
0x166: {  	v3 =	vor.u32 v3, v4  }
0x167: {  	v4 =	vperm.xlane v3, v0;
	_ =	sdelay $0x1  }
0x168: {  	v3 =	vperm.xlane v3, v2;
	v4 =	vadd.s32 v1, v4;
	_ =	sdelay $0x1  }
0x169: {  	v3 =	vadd.s32 v1, v3;
	_ =	sdelay $0x2  }
0x16a: {  	[tilespmem:s17], [sflag:$0x1] =	stream.indirect_vreg.gather [hbm4b:s1+s3], $0x80, v4, vm0, $0xb8;
	[tilespmem:$0x18200] =	vst v63  }
0x16b: {  	_ = 	snop  }
0x16c: {  	[tilespmem:s18], [sflag:$0x1] =	stream.indirect_vreg.gather [hbm4b:s1+s3], $0x80, v3, vm0, $0xb8;
	[tilespmem:$0x18200] =	vst v63  }
0x16d: {  	v3 =	vld [tilespmem:$0x1E0];
	_ =	sdelay $0x4  }
0x16e: {  	v62 =	vshll.u32 v3, $0x1  }
0x16f: {  	v3 =	vand.u32 $0x7, v3;
	v4 =	vand.u32 $0xFFFFFFF0, v62  }
0x170: {  	v3 =	vor.u32 v3, v4  }
0x171: {  	v4 =	vperm.xlane v3, v0;
	_ =	sdelay $0x1  }
0x172: {  	v3 =	vperm.xlane v3, v2;
	v4 =	vadd.s32 v1, v4;
	_ =	sdelay $0x1  }
0x173: {  	v3 =	vadd.s32 v1, v3;
	_ =	sdelay $0x2  }
0x174: {  	[tilespmem:s19], [sflag:$0x1] =	stream.indirect_vreg.gather [hbm4b:s1+s3], $0x80, v4, vm0, $0xb8;
	[tilespmem:$0x18200] =	vst v63  }
0x175: {  	_ = 	snop  }
0x176: {  	[tilespmem:s20], [sflag:$0x1] =	stream.indirect_vreg.gather [hbm4b:s1+s3], $0x80, v3, vm0, $0xb8;
	[tilespmem:$0x18200] =	vst v63  }
0x177: {  	v3 =	vld [tilespmem:$0x1F0];
	_ =	sdelay $0x4  }
0x178: {  	v63 =	vshll.u32 v3, $0x1  }
0x179: {  	v3 =	vand.u32 $0x7, v3;
	v4 =	vand.u32 $0xFFFFFFF0, v63  }
0x17a: {  	v3 =	vor.u32 v3, v4  }
0x17b: {  	v4 =	vperm.xlane v3, v0;
	_ =	sdelay $0x1  }
0x17c: {  	v3 =	vperm.xlane v3, v2;
	v4 =	vadd.s32 v1, v4;
	_ =	sdelay $0x1  }
0x17d: {  	v3 =	vadd.s32 v1, v3;
	_ =	sdelay $0x2  }
0x17e: {  	[tilespmem:s21], [sflag:$0x1] =	stream.indirect_vreg.gather [hbm4b:s1+s3], $0x80, v4, vm0, $0xb8;
	[tilespmem:$0x18200] =	vst v63  }
0x17f: {  	_ = 	snop  }
0x180: {  	[tilespmem:s22], [sflag:$0x1] =	stream.indirect_vreg.gather [hbm4b:s1+s3], $0x80, v3, vm0, $0xb8;
	[tilespmem:$0x18200] =	vst v63  }
0x181: {  	_ =	swait.ge [sflag:s29], $0x8000  }
0x182: {  	[sflag:s29] =	ssyncset.done $0x0  }
0x183: {  	s25 =	rddreg [dreg:$0x5];
	[sflag:s29] =	ssyncadd.s32 $0xFFFF8000  }
0x184: {  	[hbm4b:s25+s3] =	stream.linear.scatter [tilespmem:s23], [sflag:$0x5], $0x8000, $0x38;
	[tilespmem:$0x18200] =	vst v63  }
0x185: {  	_ =	swait.ge [sflag:s30], $0x8000  }
0x186: {  	[sflag:s30] =	ssyncset.done $0x0  }
0x187: {  	s25 =	rddreg [dreg:$0x6];
	[sflag:s30] =	ssyncadd.s32 $0xFFFF8000  }
0x188: {  	[hbm4b:s25+s3] =	stream.linear.scatter [tilespmem:s24], [sflag:$0x6], $0x8000, $0x38;
	[tilespmem:$0x18200] =	vst v63  }
0x189: {  	_ =	swait.ge [sflag:s26], $0x8000  }
0x18a: {  	[sflag:s26] =	ssyncset.done $0x0  }
0x18b: {  	s25 =	rddreg [dreg:$0x7];
	[sflag:s26] =	ssyncadd.s32 $0xFFFF8000  }
0x18c: {  	[hbm4b:s25+s3] =	stream.linear.scatter [tilespmem:s7], [sflag:$0x4], $0x8000, $0x38;
	[tilespmem:$0x18200] =	vst v63  }
0x18d: {  	_ =	swait.ge [sflag:s31], $0x8000  }
0x18e: {  	[sflag:s31] =	ssyncset.done $0x0  }
0x18f: {  	[sflag:s31] =	ssyncadd.s32 $0xFFFF8000  }
0x190: {  	p0 =	sne.s32 s5, $0x1;
	_ =	swait.ge [sflag:s2], $0x8000  }
.Ltmp0:
0x191: {  	[sflag:s2] =	ssyncset.done $0x0;
	(pc) =	sbr.rel @p0 .LBB2_1-.Ltmp0, $4  }
0x192: {  	[sflag:s2] =	ssyncadd.s32 $0xFFFF8000  }
0x193: {  	_ =	swait.ge [sflag:s28], $0x8000  }
0x194: {  	[sflag:s28] =	ssyncset.done $0x0  }
0x195: {  	s5 =	sadd.s32 $0xFFFFFFFF, s5;
	[sflag:s28] =	ssyncadd.s32 $0xFFFF8000  }
0x196: {  	_ =	sfence.sel $0x180000  }
0x197: {  	[bflag:$0x0] =	sbarrier.arrive $0xFFFF  }
0x198: {  	_ =	strace $0x90000047  }
0x199: {  	s0 =	stileid.u32;
	[bflag:$0x2] =	sbarrier.arrive $0xFFFF  }
0x19a: {  	p0 =	sne.s32 s0, $0x0;
	s0 =	rddreg [dreg:$0x3]  }
0x19b: {  	s0 =	sadd.s32 @!p0 $0x100000, s0  }
0x19c: {  	[sflag:s0] =	ssyncadd.tile.s32 @!p0 $0x1;
	_ =	shalt  }
.Lfunc_end2:
_tile_overlayer_lowered:
.L_overlay_start_2:
0x19d: {  	(tag) =	ssettag $0x2  }
0x19e: {  	s0 =	rddreg [dreg:$0x0];
	s2 =	stileid.u32  }
0x19f: {  	s1 =	rddreg [dreg:$0x1];
	p0 =	sne.s32 s2, $0x0  }
0x1a0: {  	s3 =	rddreg [dreg:$0x2];
	[bflag:$0x3] =	sbarrier.arrive $0xFFFF;
	s2 =	simm.s32 @!p0 $0x1C07  }
0x1a1: {  	[timem:s3], [sflag:s2] =	dma.local @!p0 [hbm:s0], s1  }
0x1a2: {  	s0 =	simm.s32 @!p0 $0x7  }
0x1a3: {  	_ =	swait.ge @!p0 [sflag:s0], s1  }
0x1a4: {  	s1 =	ssub.s32 @!p0 $0x0, s1;
	[sflag:s0] =	ssyncset.done @!p0 $0x0  }
0x1a5: {  	[sflag:s0] =	ssyncadd.s32 @!p0 s1  }
0x1a6: {  	[bflag:$0x3] =	sbarrier.arrive $0xFFFF  }
0x1a7: {  	_ =	shalt  }

</sc_bundles>
